<compile_context>
chip_gen: v7x
topology: tpu7x:2x2x1
jax: 0.10.2.dev20260603
libtpu: 0.0.44.dev20260713+nightly
codegen_flags: <defaults>
</compile_context>

<pallas_src>
import functools

import jax
import jax.numpy as jnp
from jax import lax
from jax.experimental import pallas as pl
from jax.experimental.pallas import tpu as pltpu
from jax.experimental.pallas import tpu_sc as plsc

_DIM = 32
_NE = 8192
_B = 8192
_BS = 4096
_HW = 1024
_CH = 2048

_NC = 2
_NS = 16
_NW = _NC * _NS
_BPW = _B // _NW


def _argmin_body(x2t_ref, e_ref, xs_ref, es_ref, idx_ref, av_ref, ai_ref):
    t = pl.program_id(1)
    ms = []
    its = []
    es = es_ref[...]
    for k in range(_BS // _HW):
        mm2 = lax.dot_general(e_ref[...], x2t_ref[k],
                              (((0,), (0,)), ((), ())),
                              preferred_element_type=jnp.float32)
        d = (xs_ref[:, k * _HW:(k + 1) * _HW] - mm2) + es
        ms.append(jnp.min(d, axis=0, keepdims=True))
        its.append(jnp.argmin(d, axis=0, keepdims=True).astype(jnp.int32))
    m = jnp.concatenate(ms, axis=1)
    i_t = jnp.concatenate(its, axis=1) + t * _CH

    @pl.when(t == 0)
    def _():
        av_ref[...] = jnp.full((1, _BS), jnp.inf, jnp.float32)
        ai_ref[...] = jnp.full((1, _BS), _NE, jnp.int32)

    acc_v = av_ref[...]
    acc_i = ai_ref[...]
    lt = m < acc_v
    take = lt | ((m == acc_v) & (i_t < acc_i))
    vnew = jnp.where(lt, m, acc_v)
    av_ref[...] = vnew.astype(jnp.bfloat16).astype(jnp.float32)
    acc_i = jnp.where(take, i_t, acc_i)
    ai_ref[...] = acc_i

    @pl.when(t == _NE // _CH - 1)
    def _():
        idx_ref[...] = acc_i


_argmin_call = pl.pallas_call(
    _argmin_body,
    grid=(_B // _BS, _NE // _CH),
    in_specs=[
        pl.BlockSpec((_BS // _HW, _DIM, _HW), lambda i, t: (i, 0, 0)),
        pl.BlockSpec((_DIM, _CH), lambda i, t: (0, t)),
        pl.BlockSpec((1, _BS), lambda i, t: (0, i)),
        pl.BlockSpec((_CH, 1), lambda i, t: (t, 0)),
    ],
    out_specs=pl.BlockSpec((1, _BS), lambda i, t: (0, i)),
    out_shape=jax.ShapeDtypeStruct((1, _B), jnp.int32),
    scratch_shapes=[
        pltpu.VMEM((1, _BS), jnp.float32),
        pltpu.VMEM((1, _BS), jnp.int32),
    ],
)


@functools.cache
def _make_gather():
    mesh = plsc.VectorSubcoreMesh(core_axis_name="c", subcore_axis_name="s")

    @functools.partial(
        pl.kernel,
        mesh=mesh,
        compiler_params=pltpu.CompilerParams(use_tc_tiling_on_sc=False),
        out_type=jax.ShapeDtypeStruct((_B, _DIM), jnp.float32),
        scratch_types=[
            pltpu.VMEM((_BPW,), jnp.int32),
            pltpu.VMEM((_BPW, _DIM), jnp.float32),
            pltpu.SemaphoreType.DMA,
        ],
    )
    def _gather(table_hbm, idx_hbm, out_hbm, idx_v, rows_v, sem):
        wid = lax.axis_index("s") * _NC + lax.axis_index("c")
        base = wid * _BPW
        pltpu.sync_copy(idx_hbm.at[pl.ds(base, _BPW)], idx_v)
        pltpu.async_copy(table_hbm.at[idx_v], rows_v, sem).wait()
        pltpu.sync_copy(rows_v, out_hbm.at[pl.ds(base, _BPW)])

    return _gather


def kernel(x, embed):
    n, c, h, w = x.shape
    x2t = (2.0 * x).astype(jnp.bfloat16).reshape(n, c, h * w)
    xs = jnp.sum(x ** 2, axis=1).reshape(1, -1)
    es = jnp.sum(embed ** 2, axis=0).reshape(-1, 1)
    idx = _argmin_call(x2t, embed, xs, es).reshape(-1)
    table = embed.T
    quant = _make_gather()(table, idx)
    out = jnp.transpose(quant.reshape(n, h, w, c), (0, 3, 1, 2))
    return (out, out)

# --- scband reference (transcript-rebuilt; emitter-appended) ---
"""Pipeline reference for scband-quantization-layer-24601572671786 (READ-ONLY COPY).

The authoritative reference and input builder live on the scoring server;
editing this copy changes nothing except your own understanding.
"""

import jax, jax.numpy as jnp
import numpy as np

DIM = 32
N_EMBED = 8192

def setup_inputs(seed: int = 0) -> dict:
    key = jax.random.key(seed)
    k1, k2 = jax.random.split(key)
    x = jax.random.normal(k1, (8, DIM, 32, 32), dtype=jnp.float32)
    embed = jax.random.normal(k2, (DIM, N_EMBED), dtype=jnp.float32)
    return {"x": x, "embed": embed}

def reference(x, embed):
    # eval-mode forward of QuantizationLayer (EMA buffer updates are train-only)
    xp = jnp.transpose(x, (0, 2, 3, 1))  # NCHW -> NHWC
    flatten = xp.reshape(-1, DIM)
    dist = (jnp.sum(flatten ** 2, axis=1, keepdims=True)
            - 2.0 * flatten @ embed
            + jnp.sum(embed ** 2, axis=0, keepdims=True))
    embed_ind = jnp.argmax(-dist, axis=1)
    embed_ind = embed_ind.reshape(xp.shape[:-1])
    # F.embedding(embed_id, embed.T) -> gather rows of embed.T
    quantize = jnp.take(embed.T, embed_ind, axis=0)
    diff = jnp.transpose(quantize, (0, 3, 1, 2))
    q_ste = xp + jax.lax.stop_gradient(quantize - xp)
    q_out = jnp.transpose(q_ste, (0, 3, 1, 2))
    return (q_out, diff)

if __name__ == "__main__":
    import jax
    _d = setup_inputs()
    print(jax.jit(kernel)(*tuple(_d.values())))

</pallas_src>

<mosaic_0001>
#map = affine_map<(d0, d1) -> (0, 0)>
#map1 = affine_map<(d0, d1) -> (0)>
module attributes {stable_mosaic.version = 14 : i64} {
  func.func @_gather(%arg0: i32, %arg1: i32, %arg2: memref<8192x32xf32, #tpu.memory_space<hbm>>, %arg3: memref<8192xi32, #tpu.memory_space<hbm>>, %arg4: memref<8192x32xf32, #tpu.memory_space<hbm>>, %arg5: memref<256xi32, #tpu.memory_space<vmem>>, %arg6: memref<256x32xf32, #tpu.memory_space<vmem>>, %arg7: memref<!tpu.dma_semaphore, #tpu.memory_space<semaphore_mem>>) attributes {dimension_semantics = [#tpu.dimension_semantics<core_parallel>, #tpu.dimension_semantics<subcore_parallel>], iteration_bounds = array<i64: 2, 16>, scalar_prefetch = 0 : i64, scratch_operands = 3 : i64, tpu.core_type = #tpu.core_type<sc_vector_subcore>, window_params = [{transform_indices = #map}, {transform_indices = #map1}, {transform_indices = #map}]} {
    %mul3A = arith.constant 2 : i32
    %mul3A_0 = arith.muli %arg1, %mul3A : i32
    %add3A = arith.addi %mul3A_0, %arg0 : i32
    %mul3A_1 = arith.constant 256 : i32
    %mul3A_2 = arith.muli %add3A, %mul3A_1 : i32
    "tpu.region"() ({
      %run_scoped3A = tpu.sem_alloc : memref<!tpu.dma_semaphore, #tpu.memory_space<semaphore_mem>>
      %dma_start3A_7 = tpu.memref_slice %arg3[%mul3A_2] : memref<8192xi32, #tpu.memory_space<hbm>> -> memref<256xi32, #tpu.memory_space<hbm>>
      %dma_start3A_8 = tpu.memref_slice %arg3[%mul3A_2] : memref<8192xi32, #tpu.memory_space<hbm>> -> memref<256xi32, #tpu.memory_space<hbm>>
      tpu.enqueue_dma source(%dma_start3A_8 : memref<256xi32, #tpu.memory_space<hbm>>) target(%arg5 : memref<256xi32, #tpu.memory_space<vmem>>) target_semaphore(%run_scoped3A : memref<!tpu.dma_semaphore, #tpu.memory_space<semaphore_mem>>)
      %dma_wait3A_9 = tpu.memref_slice %arg3[%mul3A_2] : memref<8192xi32, #tpu.memory_space<hbm>> -> memref<256xi32, #tpu.memory_space<hbm>>
      %dma_wait3A_10 = tpu.memref_slice %arg3[%mul3A_2] : memref<8192xi32, #tpu.memory_space<hbm>> -> memref<256xi32, #tpu.memory_space<hbm>>
      tpu.wait_dma2 semaphore(%run_scoped3A : memref<!tpu.dma_semaphore, #tpu.memory_space<semaphore_mem>>) src(%dma_wait3A_10 : memref<256xi32, #tpu.memory_space<hbm>>) dst(%arg5 : memref<256xi32, #tpu.memory_space<vmem>>)
      tpu.yield
    }) : () -> ()
    %dma_start3A = arith.constant 0 : i32
    %dma_start3A_3 = arith.constant 0 : i32
    %dma_start3A_4 = tpu.memref_slice %arg2[%dma_start3A, %dma_start3A_3] : memref<8192x32xf32, #tpu.memory_space<hbm>> -> memref<8192x32xf32, #tpu.memory_space<hbm>>
    tpu.enqueue_indirect_dma source(%dma_start3A_4 : memref<8192x32xf32, #tpu.memory_space<hbm>>) target(%arg6 : memref<256x32xf32, #tpu.memory_space<vmem>>) offsets(%arg5 : memref<256xi32, #tpu.memory_space<vmem>>) semaphore(%arg7 : memref<!tpu.dma_semaphore, #tpu.memory_space<semaphore_mem>>)
    %dma_wait3A = arith.constant 0 : i32
    %dma_wait3A_5 = arith.constant 0 : i32
    %dma_wait3A_6 = tpu.memref_slice %arg2[%dma_wait3A, %dma_wait3A_5] : memref<8192x32xf32, #tpu.memory_space<hbm>> -> memref<8192x32xf32, #tpu.memory_space<hbm>>
    tpu.wait_indirect_dma semaphore(%arg7 : memref<!tpu.dma_semaphore, #tpu.memory_space<semaphore_mem>>) src(%dma_wait3A_6 : memref<8192x32xf32, #tpu.memory_space<hbm>>) dst(%arg6 : memref<256x32xf32, #tpu.memory_space<vmem>>)
    "tpu.region"() ({
      %run_scoped3A = tpu.sem_alloc : memref<!tpu.dma_semaphore, #tpu.memory_space<semaphore_mem>>
      %dma_start3A_7 = arith.constant 0 : i32
      %dma_start3A_8 = tpu.memref_slice %arg4[%mul3A_2, %dma_start3A_7] : memref<8192x32xf32, #tpu.memory_space<hbm>> -> memref<256x32xf32, #tpu.memory_space<hbm>>
      %dma_start3A_9 = arith.constant 0 : i32
      %dma_start3A_10 = tpu.memref_slice %arg4[%mul3A_2, %dma_start3A_9] : memref<8192x32xf32, #tpu.memory_space<hbm>> -> memref<256x32xf32, #tpu.memory_space<hbm>>
      tpu.enqueue_dma source(%arg6 : memref<256x32xf32, #tpu.memory_space<vmem>>) target(%dma_start3A_10 : memref<256x32xf32, #tpu.memory_space<hbm>>) target_semaphore(%run_scoped3A : memref<!tpu.dma_semaphore, #tpu.memory_space<semaphore_mem>>)
      %dma_wait3A_11 = arith.constant 0 : i32
      %dma_wait3A_12 = tpu.memref_slice %arg4[%mul3A_2, %dma_wait3A_11] : memref<8192x32xf32, #tpu.memory_space<hbm>> -> memref<256x32xf32, #tpu.memory_space<hbm>>
      %dma_wait3A_13 = arith.constant 0 : i32
      %dma_wait3A_14 = tpu.memref_slice %arg4[%mul3A_2, %dma_wait3A_13] : memref<8192x32xf32, #tpu.memory_space<hbm>> -> memref<256x32xf32, #tpu.memory_space<hbm>>
      tpu.wait_dma2 semaphore(%run_scoped3A : memref<!tpu.dma_semaphore, #tpu.memory_space<semaphore_mem>>) src(%arg6 : memref<256x32xf32, #tpu.memory_space<vmem>>) dst(%dma_wait3A_14 : memref<256x32xf32, #tpu.memory_space<hbm>>)
      tpu.yield
    }) : () -> ()
    return
  }
}

module attributes {stable_mosaic.version = 14 : i64} {
  func.func @_argmin_body(%arg0: i32, %arg1: i32, %arg2: memref<4x32x1024xbf16, #tpu.memory_space<vmem>>, %arg3: memref<32x2048xf32, #tpu.memory_space<vmem>>, %arg4: memref<1x4096xf32, #tpu.memory_space<vmem>>, %arg5: memref<2048x1xf32, #tpu.memory_space<vmem>>, %arg6: memref<1x4096xi32, #tpu.memory_space<vmem>>, %arg7: memref<1x4096xf32, #tpu.memory_space<vmem>>, %arg8: memref<1x4096xi32, #tpu.memory_space<vmem>>) attributes {dimension_semantics = [#tpu.dimension_semantics<arbitrary>, #tpu.dimension_semantics<arbitrary>], iteration_bounds = array<i64: 2, 4>, scalar_prefetch = 0 : i64, scratch_operands = 2 : i64, tpu.core_type = #tpu.core_type<tc>, window_params = [{transform_indices = @transform_0, window_bounds = array<i64: 4, 32, 1024>}, {transform_indices = @transform_1, window_bounds = array<i64: 32, 2048>}, {transform_indices = @transform_2, window_bounds = array<i64: 1, 4096>}, {transform_indices = @transform_3, window_bounds = array<i64: 2048, 1>}, {transform_indices = @transform_4, window_bounds = array<i64: 1, 4096>}]} {
    %get3A = arith.constant 0 : index
    %get3A_0 = arith.constant 0 : index
    %get3A_1 = vector.load %arg5[%get3A, %get3A_0] : memref<2048x1xf32, #tpu.memory_space<vmem>>, vector<2048x1xf32>
    %get3A_2 = arith.constant 0 : index
    %get3A_3 = arith.constant 0 : index
    %get3A_4 = vector.load %arg3[%get3A_2, %get3A_3] : memref<32x2048xf32, #tpu.memory_space<vmem>>, vector<32x2048xf32>
    %get3A_5 = arith.constant 0 : index
    %get3A_6 = arith.constant 0 : index
    %get3A_7 = arith.constant 0 : index
    %get3A_8 = vector.load %arg2[%get3A_5, %get3A_6, %get3A_7] : memref<4x32x1024xbf16, #tpu.memory_space<vmem>>, vector<1x32x1024xbf16>
    %get3A_9 = vector.shape_cast %get3A_8 : vector<1x32x1024xbf16> to vector<32x1024xbf16>
    %dot_general3A = arith.constant dense<0.000000e+00> : vector<2048x1024xf32>
    %dot_general3A_10 = tpu.matmul %get3A_4, %get3A_9, %dot_general3A {dimension_numbers = #tpu.dot_dimension_numbers<[0], [0], [1], [1], [0, 1, 1, 1], [], []>, transpose_lhs_hint = false} : vector<32x2048xf32>, vector<32x1024xbf16>, vector<2048x1024xf32> -> vector<2048x1024xf32>
    %get3A_11 = arith.constant 0 : index
    %get3A_12 = arith.constant 0 : index
    %get3A_13 = vector.load %arg4[%get3A_11, %get3A_12] : memref<1x4096xf32, #tpu.memory_space<vmem>>, vector<1x1024xf32>
    %sub3A = vector.broadcast %get3A_13 : vector<1x1024xf32> to vector<2048x1024xf32>
    %sub3A_14 = arith.subf %sub3A, %dot_general3A_10 : vector<2048x1024xf32>
    %add3A = vector.broadcast %get3A_1 : vector<2048x1xf32> to vector<2048x1024xf32>
    %add3A_15 = arith.addf %sub3A_14, %add3A : vector<2048x1024xf32>
    %reduce_min3A = arith.constant dense<0x7F800000> : vector<1024xf32>
    %reduce_min3A_16 = vector.multi_reduction <minimumf>, %add3A_15, %reduce_min3A [0] : vector<2048x1024xf32> to vector<1024xf32>
    %broadcast_in_dim3A = vector.shape_cast %reduce_min3A_16 : vector<1024xf32> to vector<1x1024xf32>
    %argmin3A = tpu.reduce_index %add3A_15 {axis = 0 : i32, kind = #tpu.reduction_kind<arg_min>} : vector<2048x1024xf32> -> vector<1024xi32>
    %broadcast_in_dim3A_17 = vector.shape_cast %argmin3A : vector<1024xi32> to vector<1x1024xi32>
    %get3A_18 = arith.constant 0 : index
    %get3A_19 = arith.constant 0 : index
    %get3A_20 = vector.load %arg3[%get3A_18, %get3A_19] : memref<32x2048xf32, #tpu.memory_space<vmem>>, vector<32x2048xf32>
    %get3A_21 = arith.constant 1 : index
    %get3A_22 = arith.constant 0 : index
    %get3A_23 = arith.constant 0 : index
    %get3A_24 = vector.load %arg2[%get3A_21, %get3A_22, %get3A_23] : memref<4x32x1024xbf16, #tpu.memory_space<vmem>>, vector<1x32x1024xbf16>
    %get3A_25 = vector.shape_cast %get3A_24 : vector<1x32x1024xbf16> to vector<32x1024xbf16>
    %dot_general3A_26 = arith.constant dense<0.000000e+00> : vector<2048x1024xf32>
    %dot_general3A_27 = tpu.matmul %get3A_20, %get3A_25, %dot_general3A_26 {dimension_numbers = #tpu.dot_dimension_numbers<[0], [0], [1], [1], [0, 1, 1, 1], [], []>, transpose_lhs_hint = false} : vector<32x2048xf32>, vector<32x1024xbf16>, vector<2048x1024xf32> -> vector<2048x1024xf32>
    %get3A_28 = arith.constant 0 : index
    %get3A_29 = arith.constant 1024 : index
    %get3A_30 = vector.load %arg4[%get3A_28, %get3A_29] : memref<1x4096xf32, #tpu.memory_space<vmem>>, vector<1x1024xf32>
    %sub3A_31 = vector.broadcast %get3A_30 : vector<1x1024xf32> to vector<2048x1024xf32>
    %sub3A_32 = arith.subf %sub3A_31, %dot_general3A_27 : vector<2048x1024xf32>
    %add3A_33 = vector.broadcast %get3A_1 : vector<2048x1xf32> to vector<2048x1024xf32>
    %add3A_34 = arith.addf %sub3A_32, %add3A_33 : vector<2048x1024xf32>
    %reduce_min3A_35 = arith.constant dense<0x7F800000> : vector<1024xf32>
    %reduce_min3A_36 = vector.multi_reduction <minimumf>, %add3A_34, %reduce_min3A_35 [0] : vector<2048x1024xf32> to vector<1024xf32>
    %broadcast_in_dim3A_37 = vector.shape_cast %reduce_min3A_36 : vector<1024xf32> to vector<1x1024xf32>
    %argmin3A_38 = tpu.reduce_index %add3A_34 {axis = 0 : i32, kind = #tpu.reduction_kind<arg_min>} : vector<2048x1024xf32> -> vector<1024xi32>
    %broadcast_in_dim3A_39 = vector.shape_cast %argmin3A_38 : vector<1024xi32> to vector<1x1024xi32>
    %get3A_40 = arith.constant 0 : index
    %get3A_41 = arith.constant 0 : index
    %get3A_42 = vector.load %arg3[%get3A_40, %get3A_41] : memref<32x2048xf32, #tpu.memory_space<vmem>>, vector<32x2048xf32>
    %get3A_43 = arith.constant 2 : index
    %get3A_44 = arith.constant 0 : index
    %get3A_45 = arith.constant 0 : index
    %get3A_46 = vector.load %arg2[%get3A_43, %get3A_44, %get3A_45] : memref<4x32x1024xbf16, #tpu.memory_space<vmem>>, vector<1x32x1024xbf16>
    %get3A_47 = vector.shape_cast %get3A_46 : vector<1x32x1024xbf16> to vector<32x1024xbf16>
    %dot_general3A_48 = arith.constant dense<0.000000e+00> : vector<2048x1024xf32>
    %dot_general3A_49 = tpu.matmul %get3A_42, %get3A_47, %dot_general3A_48 {dimension_numbers = #tpu.dot_dimension_numbers<[0], [0], [1], [1], [0, 1, 1, 1], [], []>, transpose_lhs_hint = false} : vector<32x2048xf32>, vector<32x1024xbf16>, vector<2048x1024xf32> -> vector<2048x1024xf32>
    %get3A_50 = arith.constant 0 : index
    %get3A_51 = arith.constant 2048 : index
    %get3A_52 = vector.load %arg4[%get3A_50, %get3A_51] : memref<1x4096xf32, #tpu.memory_space<vmem>>, vector<1x1024xf32>
    %sub3A_53 = vector.broadcast %get3A_52 : vector<1x1024xf32> to vector<2048x1024xf32>
    %sub3A_54 = arith.subf %sub3A_53, %dot_general3A_49 : vector<2048x1024xf32>
    %add3A_55 = vector.broadcast %get3A_1 : vector<2048x1xf32> to vector<2048x1024xf32>
    %add3A_56 = arith.addf %sub3A_54, %add3A_55 : vector<2048x1024xf32>
    %reduce_min3A_57 = arith.constant dense<0x7F800000> : vector<1024xf32>
    %reduce_min3A_58 = vector.multi_reduction <minimumf>, %add3A_56, %reduce_min3A_57 [0] : vector<2048x1024xf32> to vector<1024xf32>
    %broadcast_in_dim3A_59 = vector.shape_cast %reduce_min3A_58 : vector<1024xf32> to vector<1x1024xf32>
    %argmin3A_60 = tpu.reduce_index %add3A_56 {axis = 0 : i32, kind = #tpu.reduction_kind<arg_min>} : vector<2048x1024xf32> -> vector<1024xi32>
    %broadcast_in_dim3A_61 = vector.shape_cast %argmin3A_60 : vector<1024xi32> to vector<1x1024xi32>
    %get3A_62 = arith.constant 0 : index
    %get3A_63 = arith.constant 0 : index
    %get3A_64 = vector.load %arg3[%get3A_62, %get3A_63] : memref<32x2048xf32, #tpu.memory_space<vmem>>, vector<32x2048xf32>
    %get3A_65 = arith.constant 3 : index
    %get3A_66 = arith.constant 0 : index
    %get3A_67 = arith.constant 0 : index
    %get3A_68 = vector.load %arg2[%get3A_65, %get3A_66, %get3A_67] : memref<4x32x1024xbf16, #tpu.memory_space<vmem>>, vector<1x32x1024xbf16>
    %get3A_69 = vector.shape_cast %get3A_68 : vector<1x32x1024xbf16> to vector<32x1024xbf16>
    %dot_general3A_70 = arith.constant dense<0.000000e+00> : vector<2048x1024xf32>
    %dot_general3A_71 = tpu.matmul %get3A_64, %get3A_69, %dot_general3A_70 {dimension_numbers = #tpu.dot_dimension_numbers<[0], [0], [1], [1], [0, 1, 1, 1], [], []>, transpose_lhs_hint = false} : vector<32x2048xf32>, vector<32x1024xbf16>, vector<2048x1024xf32> -> vector<2048x1024xf32>
    %get3A_72 = arith.constant 0 : index
    %get3A_73 = arith.constant 3072 : index
    %get3A_74 = vector.load %arg4[%get3A_72, %get3A_73] : memref<1x4096xf32, #tpu.memory_space<vmem>>, vector<1x1024xf32>
    %sub3A_75 = vector.broadcast %get3A_74 : vector<1x1024xf32> to vector<2048x1024xf32>
    %sub3A_76 = arith.subf %sub3A_75, %dot_general3A_71 : vector<2048x1024xf32>
    %add3A_77 = vector.broadcast %get3A_1 : vector<2048x1xf32> to vector<2048x1024xf32>
    %add3A_78 = arith.addf %sub3A_76, %add3A_77 : vector<2048x1024xf32>
    %reduce_min3A_79 = arith.constant dense<0x7F800000> : vector<1024xf32>
    %reduce_min3A_80 = vector.multi_reduction <minimumf>, %add3A_78, %reduce_min3A_79 [0] : vector<2048x1024xf32> to vector<1024xf32>
    %broadcast_in_dim3A_81 = vector.shape_cast %reduce_min3A_80 : vector<1024xf32> to vector<1x1024xf32>
    %argmin3A_82 = tpu.reduce_index %add3A_78 {axis = 0 : i32, kind = #tpu.reduction_kind<arg_min>} : vector<2048x1024xf32> -> vector<1024xi32>
    %broadcast_in_dim3A_83 = vector.shape_cast %argmin3A_82 : vector<1024xi32> to vector<1x1024xi32>
    %concatenate3A = tpu.concatenate %broadcast_in_dim3A, %broadcast_in_dim3A_37, %broadcast_in_dim3A_59, %broadcast_in_dim3A_81 in 1 : vector<1x1024xf32>, vector<1x1024xf32>, vector<1x1024xf32>, vector<1x1024xf32> -> vector<1x4096xf32>
    %concatenate3A_84 = tpu.concatenate %broadcast_in_dim3A_17, %broadcast_in_dim3A_39, %broadcast_in_dim3A_61, %broadcast_in_dim3A_83 in 1 : vector<1x1024xi32>, vector<1x1024xi32>, vector<1x1024xi32>, vector<1x1024xi32> -> vector<1x4096xi32>
    %mul3A = arith.constant 2048 : i32
    %mul3A_85 = arith.muli %arg1, %mul3A : i32
    %add3A_86 = vector.broadcast %mul3A_85 : i32 to vector<1x4096xi32>
    %add3A_87 = arith.addi %concatenate3A_84, %add3A_86 : vector<1x4096xi32>
    %eq3A = arith.constant 0 : i32
    %eq3A_88 = arith.cmpi eq, %arg1, %eq3A : i32
    %convert_element_type3A = arith.extui %eq3A_88 : i1 to i32
    %cond3A = arith.constant 0 : i32
    %cond3A_89 = arith.cmpi ne, %convert_element_type3A, %cond3A : i32
    scf.if %cond3A_89 {
      %broadcast_in_dim3A_111 = arith.constant 0x7F800000 : f32
      %broadcast_in_dim3A_112 = vector.broadcast %broadcast_in_dim3A_111 : f32 to vector<1x4096xf32>
      %swap3A_113 = arith.constant 0 : index
      %swap3A_114 = arith.constant 0 : index
      %swap3A_115 = vector.load %arg7[%swap3A_113, %swap3A_114] : memref<1x4096xf32, #tpu.memory_space<vmem>>, vector<1x4096xf32>
      tpu.vector_store %arg7[%swap3A_113, %swap3A_114], %broadcast_in_dim3A_112 {strides = array<i32>} : memref<1x4096xf32, #tpu.memory_space<vmem>>, vector<1x4096xf32>,
      %broadcast_in_dim3A_116 = arith.constant 8192 : i32
      %broadcast_in_dim3A_117 = vector.broadcast %broadcast_in_dim3A_116 : i32 to vector<1x4096xi32>
      %swap3A_118 = arith.constant 0 : index
      %swap3A_119 = arith.constant 0 : index
      %swap3A_120 = vector.load %arg8[%swap3A_118, %swap3A_119] : memref<1x4096xi32, #tpu.memory_space<vmem>>, vector<1x4096xi32>
      tpu.vector_store %arg8[%swap3A_118, %swap3A_119], %broadcast_in_dim3A_117 {strides = array<i32>} : memref<1x4096xi32, #tpu.memory_space<vmem>>, vector<1x4096xi32>,
    } else {
    }
    %get3A_90 = arith.constant 0 : index
    %get3A_91 = arith.constant 0 : index
    %get3A_92 = vector.load %arg7[%get3A_90, %get3A_91] : memref<1x4096xf32, #tpu.memory_space<vmem>>, vector<1x4096xf32>
    %get3A_93 = arith.constant 0 : index
    %get3A_94 = arith.constant 0 : index
    %get3A_95 = vector.load %arg8[%get3A_93, %get3A_94] : memref<1x4096xi32, #tpu.memory_space<vmem>>, vector<1x4096xi32>
    %lt3A = arith.cmpf olt, %concatenate3A, %get3A_92 : vector<1x4096xf32>
    %eq3A_96 = arith.cmpf oeq, %concatenate3A, %get3A_92 : vector<1x4096xf32>
    %lt3A_97 = arith.cmpi slt, %add3A_87, %get3A_95 : vector<1x4096xi32>
    %and3A = arith.andi %eq3A_96, %lt3A_97 : vector<1x4096xi1>
    %or3A = arith.ori %lt3A, %and3A : vector<1x4096xi1>
    %select_n3A = arith.select %lt3A, %concatenate3A, %get3A_92 : vector<1x4096xi1>, vector<1x4096xf32>
    %convert_element_type3A_98 = arith.truncf %select_n3A : vector<1x4096xf32> to vector<1x4096xbf16>
    %convert_element_type3A_99 = arith.extf %convert_element_type3A_98 : vector<1x4096xbf16> to vector<1x4096xf32>
    %swap3A = arith.constant 0 : index
    %swap3A_100 = arith.constant 0 : index
    %swap3A_101 = vector.load %arg7[%swap3A, %swap3A_100] : memref<1x4096xf32, #tpu.memory_space<vmem>>, vector<1x4096xf32>
    tpu.vector_store %arg7[%swap3A, %swap3A_100], %convert_element_type3A_99 {strides = array<i32>} : memref<1x4096xf32, #tpu.memory_space<vmem>>, vector<1x4096xf32>,
    %select_n3A_102 = arith.select %or3A, %add3A_87, %get3A_95 : vector<1x4096xi1>, vector<1x4096xi32>
    %swap3A_103 = arith.constant 0 : index
    %swap3A_104 = arith.constant 0 : index
    %swap3A_105 = vector.load %arg8[%swap3A_103, %swap3A_104] : memref<1x4096xi32, #tpu.memory_space<vmem>>, vector<1x4096xi32>
    tpu.vector_store %arg8[%swap3A_103, %swap3A_104], %select_n3A_102 {strides = array<i32>} : memref<1x4096xi32, #tpu.memory_space<vmem>>, vector<1x4096xi32>,
    %eq3A_106 = arith.constant 3 : i32
    %eq3A_107 = arith.cmpi eq, %arg1, %eq3A_106 : i32
    %convert_element_type3A_108 = arith.extui %eq3A_107 : i1 to i32
    %cond3A_109 = arith.constant 0 : i32
    %cond3A_110 = arith.cmpi ne, %convert_element_type3A_108, %cond3A_109 : i32
    scf.if %cond3A_110 {
      %swap3A_111 = arith.constant 0 : index
      %swap3A_112 = arith.constant 0 : index
      %swap3A_113 = vector.load %arg6[%swap3A_111, %swap3A_112] : memref<1x4096xi32, #tpu.memory_space<vmem>>, vector<1x4096xi32>
      tpu.vector_store %arg6[%swap3A_111, %swap3A_112], %select_n3A_102 {strides = array<i32>} : memref<1x4096xi32, #tpu.memory_space<vmem>>, vector<1x4096xi32>,
    } else {
    }
    return
  }
  func.func @transform_0(%arg0: i32, %arg1: i32) -> (i32, i32, i32) {
    %c0_i32 = arith.constant 0 : i32
    %c0_i32_0 = arith.constant 0 : i32
    %c0_i32_1 = arith.constant 0 : i32
    return %arg0, %c0_i32, %c0_i32_0 : i32, i32, i32
  }
  func.func @transform_1(%arg0: i32, %arg1: i32) -> (i32, i32) {
    %c0_i32 = arith.constant 0 : i32
    %c0_i32_0 = arith.constant 0 : i32
    return %c0_i32, %arg1 : i32, i32
  }
  func.func @transform_2(%arg0: i32, %arg1: i32) -> (i32, i32) {
    %c0_i32 = arith.constant 0 : i32
    %c0_i32_0 = arith.constant 0 : i32
    return %c0_i32, %arg0 : i32, i32
  }
  func.func @transform_3(%arg0: i32, %arg1: i32) -> (i32, i32) {
    %c0_i32 = arith.constant 0 : i32
    %c0_i32_0 = arith.constant 0 : i32
    return %arg1, %c0_i32 : i32, i32
  }
  func.func @transform_4(%arg0: i32, %arg1: i32) -> (i32, i32) {
    %c0_i32 = arith.constant 0 : i32
    %c0_i32_0 = arith.constant 0 : i32
    return %c0_i32, %arg0 : i32, i32
  }
}

</mosaic_0001>

<sc_bundles>
// kernel: kernel.4.cloned.1.call-start
scs
__scs_entry_jumppad:
0x0: {  	(pc) =	sbr.rel $0x88, $3  }
0x1: {  	(tag) =	ssettag $0x0;
	lr =	simm.s32 $0x1  }
0x2: {  	[smem:$0x3F9F] =	sst lr;
	_ =	strace $0xD0000000  }
0x3: {  	_ = 	snop  }
0x4: {  	_ = 	snop  }
0x5: {  	_ = 	snop  }
0x6: {  	_ = 	snop  }
0x7: {  	_ = 	snop  }
__scs_overlays_trampoline_lowered:
0x8: {  	[smem:$0x3FAE] =	sst s0  }
0x9: {  	[smem:$0x3FAF] =	sst s1  }
0xa: {  	[smem:$0x3FB0] =	sst s2  }
0xb: {  	[smem:$0x3FB1] =	sst s3  }
0xc: {  	[smem:$0x3FB2] =	sst s4  }
0xd: {  	[smem:$0x3FB3] =	sst s5  }
0xe: {  	[smem:$0x3FB4] =	sst s6  }
0xf: {  	[smem:$0x3FB5] =	sst s7  }
0x10: {  	[smem:$0x3FB6] =	sst s8  }
0x11: {  	[smem:$0x3FB7] =	sst s9;
	s0 =	simm.s32 @!p0 $0x0  }
0x12: {  	s1 =	sld [smem:$0x3F9D];
	s0 =	simm.s32 @p0 $0x1  }
0x13: {  	[smem:$0x3FB8] =	sst s0;
	s0 =	simm.s32 @!p1 $0x0  }
0x14: {  	s2 =	sld [smem:$0x3F9C];
	s0 =	simm.s32 @p1 $0x1  }
0x15: {  	[smem:$0x3FB9] =	sst s0;
	s0 =	simm.s32 @!p2 $0x0  }
0x16: {  	s3 =	sld [smem:$0x3FDB];
	s0 =	simm.s32 @p2 $0x1  }
0x17: {  	s4 =	simm.s32 $0x1BF5;
	[smem:$0x3FBB] =	sst s0  }
0x18: {  	s0 =	sld [smem:$0x3F9E];
	_ =	swait.ge [sflag:s4], $0x0  }
0x19: {  	s7 =	sld [smem:$0x3F9F]  }
0x1a: {  	s8 =	sadd.s32 $0xFFFFE003, lr  }
0x1b: {  	s9 =	sadd.s32 $0xFFFFFEF7, lr;
	s5 =	simm.s32 $0xFFFFFFFF;
	p2 =	slt.u32 s8, $0xFFFFF086  }
0x1c: {  	p1 =	slt.u32 s9, $0xF7A;
	s5 =	simm.s32 @!p2 $0x0  }
0x1d: {  	s5 =	simm.s32 @p1 $0x1;
	p0 =	seq.s32 s7, s2  }
0x1e: {  	s7 =	smul.u32 @!p0 $0xF7A, s2;
	p2 =	seq.s32 @!p0 s5, $0x0  }
0x1f: {  	s9 =	smul.u32 $0xF7A, s1;
	s8 =	simm.s32 @!p0 $0x1BF5;
	p2 =	por !p2, p0  }
0x20: {  	[sflag:s8] =	ssyncset.s32 @!p0 $0xFFFFF086;
	s6 =	sadd.s32 @!p0 s3, s7;
	s7 =	simm.s32 @!p0 $0x108  }
0x21: {  	s3 =	sadd.s32 s3, s9;
	s6 =	sadd.s32 @!p0 $0x88, s6;
	s7 =	simm.s32 @p2 $0x1082  }
0x22: {  	[simem:s7], [sflag:s8] =	dma.local @!p0 [hbm:s6], $0xF7A  }
0x23: {  	s9 =	sor.u32 $0xD0000000, s2;
	s6 =	simm.s32 $0x108;
	_ =	swait.ge @!p0 [sflag:s8], $0x0  }
0x24: {  	s3 =	sadd.s32 $0x88, s3;
	s6 =	simm.s32 @!p1 $0x1082;
	[sflag:s4] =	ssyncset.s32 $0xFFFFF086  }
0x25: {  	[simem:s6], [sflag:s4] =	dma.local [hbm:s3], $0xF7A  }
0x26: {  	[smem:$0x3F9F] =	sst s1;
	(tag) =	ssettag s2;
	_ =	strace s9  }
0x27: {  	s1 =	sld [smem:$0x3FAF]  }
0x28: {  	s2 =	sld [smem:$0x3FB0]  }
0x29: {  	s4 =	sld [smem:$0x3FB2]  }
0x2a: {  	p0 =	seq.s32 s5, $0x0;
	s5 =	sld [smem:$0x3FB3]  }
0x2b: {  	s6 =	sld [smem:$0x3FB4]  }
0x2c: {  	s7 =	sld [smem:$0x3FB5]  }
0x2d: {  	s3 =	simm.s32 $0x108;
	s8 =	sld [smem:$0x3FB6]  }
0x2e: {  	s3 =	simm.s32 @!p0 $0x1082;
	s9 =	sld [smem:$0x3FB7]  }
0x2f: {  	lr =	sadd.s32 s0, s3;
	s0 =	sld [smem:$0x3FAE]  }
0x30: {  	s3 =	sld [smem:$0x3FB1]  }
0x31: {  	[smem:$0x3FBA] =	sst s10  }
0x32: {  	s10 =	sld [smem:$0x3FB8];
	_ =	sdelay $0x3  }
0x33: {  	p0 =	seq.s32 s10, $0x1;
	s10 =	sld [smem:$0x3FBA];
	_ =	sdelay $0x3  }
0x34: {  	[smem:$0x3FBA] =	sst s10  }
0x35: {  	s10 =	sld [smem:$0x3FB9];
	_ =	sdelay $0x3  }
0x36: {  	p1 =	seq.s32 s10, $0x1;
	s10 =	sld [smem:$0x3FBA];
	_ =	sdelay $0x3  }
0x37: {  	[smem:$0x3FBA] =	sst s10  }
0x38: {  	s10 =	sld [smem:$0x3FBB]  }
0x39: {  	_ = 	snop;
	(pc) =	sbr.ind lr, $3  }
0x3a: {  	_ = 	snop  }
0x3b: {  	_ = 	snop  }
0x3c: {  	p2 =	seq.s32 s10, $0x1;
	s10 =	sld [smem:$0x3FBA]  }
0x3d: {  	_ =	shalt  }
0x3e: {  	_ =	shalt  }
0x3f: {  	_ =	shalt  }
0x40: {  	_ =	shalt  }
0x41: {  	_ =	shalt  }
0x42: {  	_ =	shalt  }
0x43: {  	_ =	shalt  }
0x44: {  	_ =	shalt  }
0x45: {  	_ =	shalt  }
0x46: {  	_ =	shalt  }
0x47: {  	_ =	shalt  }
0x48: {  	_ =	shalt  }
0x49: {  	_ =	shalt  }
0x4a: {  	_ =	shalt  }
0x4b: {  	_ =	shalt  }
0x4c: {  	_ =	shalt  }
0x4d: {  	_ =	shalt  }
0x4e: {  	_ =	shalt  }
0x4f: {  	_ =	shalt  }
0x50: {  	_ =	shalt  }
0x51: {  	_ =	shalt  }
0x52: {  	_ =	shalt  }
0x53: {  	_ =	shalt  }
0x54: {  	_ =	shalt  }
0x55: {  	_ =	shalt  }
0x56: {  	_ =	shalt  }
0x57: {  	_ =	shalt  }
0x58: {  	_ =	shalt  }
0x59: {  	_ =	shalt  }
0x5a: {  	_ =	shalt  }
0x5b: {  	_ =	shalt  }
0x5c: {  	_ =	shalt  }
0x5d: {  	_ =	shalt  }
0x5e: {  	_ =	shalt  }
0x5f: {  	_ =	shalt  }
0x60: {  	_ =	shalt  }
0x61: {  	_ =	shalt  }
0x62: {  	_ =	shalt  }
0x63: {  	_ =	shalt  }
0x64: {  	_ =	shalt  }
0x65: {  	_ =	shalt  }
0x66: {  	_ =	shalt  }
0x67: {  	_ =	shalt  }
0x68: {  	_ =	shalt  }
0x69: {  	_ =	shalt  }
0x6a: {  	_ =	shalt  }
0x6b: {  	_ =	shalt  }
0x6c: {  	_ =	shalt  }
0x6d: {  	_ =	shalt  }
0x6e: {  	_ =	shalt  }
0x6f: {  	_ =	shalt  }
0x70: {  	_ =	shalt  }
0x71: {  	_ =	shalt  }
0x72: {  	_ =	shalt  }
0x73: {  	_ =	shalt  }
0x74: {  	_ =	shalt  }
0x75: {  	_ =	shalt  }
0x76: {  	_ =	shalt  }
0x77: {  	_ =	shalt  }
0x78: {  	_ =	shalt  }
0x79: {  	_ =	shalt  }
0x7a: {  	_ =	shalt  }
0x7b: {  	_ =	shalt  }
0x7c: {  	_ =	shalt  }
0x7d: {  	_ =	shalt  }
0x7e: {  	_ =	shalt  }
0x7f: {  	_ =	shalt  }
0x80: {  	_ =	shalt  }
0x81: {  	_ =	shalt  }
0x82: {  	_ =	shalt  }
0x83: {  	_ =	shalt  }
0x84: {  	_ =	shalt  }
0x85: {  	_ =	shalt  }
0x86: {  	_ =	shalt  }
0x87: {  	_ =	shalt  }
.Lfunc_end0:
.L_simem_size_0:
called_computation_lowered:
.L_overlay_start_0:
0x88: {  	s2 =	sld [smem:$0x3FD9]  }
0x89: {  	s3 =	sld [smem:$0x3FFE];
	_ =	sdelay $0x1  }
0x8a: {  	s1 =	srdreg.scid  }
0x8b: {  	s0 =	sand.u32 $0x1, s1  }
0x8c: {  	s14 =	sshll.u32 s0, $0xA;
	s2 =	sadd.s32 s3, s2  }
0x8d: {  	s2 =	sadd.s32 s2, s14  }
0x8e: {  	[smem:$0x3FC6] =	sst s2  }
0x8f: {  	_ = 	snop  }
0x90: {  	s2 =	sld [smem:$0x3FD0];
	_ =	sdelay $0x2  }
0x91: {  	s15 =	simm.s32 $0xA;
	s4 =	simm.s32 $0x10  }
0x92: {  	[smem:s4], [sflag:s15] =	dma.local [hbm:s2], $0x1  }
0x93: {  	_ =	swait.eq [sflag:s15], $0x1  }
0x94: {  	[sflag:s15] =	ssyncset.done $0x0  }
0x95: {  	s16 =	sld [smem:$0x10];
	[sflag:s15] =	ssyncadd.s32 $0xFFFFFFFF  }
0x96: {  	s17 =	sld [smem:$0x11];
	(tm) =	ssettm $0x1  }
0x97: {  	s18 =	sld [smem:$0x3FFB];
	_ =	sdelay $0x3  }
0x98: {  	_ =	strace s18  }
0x99: {  	s4 =	sld [smem:$0x3FFC];
	_ =	sdelay $0x3  }
0x9a: {  	_ =	strace s4  }
0x9b: {  	s4 =	sld [smem:$0x3FFD];
	_ =	sdelay $0x3  }
0x9c: {  	_ =	strace s4  }
0x9d: {  	_ =	strace $0x8FFFFFFF  }
0x9e: {  	s19 =	sld [smem:$0x3FDB];
	_ =	sdelay $0x1  }
0x9f: {  	s5 =	simm.s32 $_scs_section_size  }
0xa0: {  	s6 =	simm.s32 $_size__tile_overlayer_lowered;
	s7 =	simm.s32 $_tile_overlayer_lowered  }
0xa1: {  	s22 =	simm.s32 $0x1BFF;
	s21 =	sshll.u32 s7, $0x1;
	s4 =	sadd.s32 s5, s19  }
0xa2: {  	s8 =	simm.s32 $0x0;
	s20 =	sshll.u32 s6, $0x1;
	s6 =	sadd.s32 s21, s4  }
0xa3: {  	[timem:s8], [sflag:s22] =	dma.local [hbm:s6], s20  }
0xa4: {  	_ =	swait.ge [sflag:s22], s20  }
0xa5: {  	s5 =	ssub.s32 $0x0, s20;
	[sflag:s22] =	ssyncset.done $0x0  }
0xa6: {  	[sflag:s22] =	ssyncadd.s32 s5;
	_ =	sdelay $0x1  }
0xa7: {  	s23 =	simm.s32 $0x1B8B  }
0xa8: {  	_ =	swait.ge [sflag:s23], $0x1  }
0xa9: {  	[sflag:s23] =	ssyncset.done $0x0  }
0xaa: {  	s25 =	simm.s32 $0x1B8E;
	s24 =	sld [smem:$0x3FFE];
	[sflag:s23] =	ssyncadd.s32 $0xFFFFFFFF  }
0xab: {  	s26 =	simm.s32 $execute0_lowered;
	[smem:$0x3FD2] =	sst s25  }
0xac: {  	s6 =	sshll.u32 s26, $0x1;
	_ =	strace $0x80000046;
	[dreg:$0x1] =	wrdreg $0xFFFFFFFF  }
0xad: {  	s28 =	simm.s32 $_size_execute0_lowered;
	s4 =	sadd.s32 s4, s6;
	[dreg:$0x0] =	wrdreg $0x0  }
0xae: {  	s6 =	sshll.u32 s28, $0x1;
	[dreg:$0x2] =	wrdreg s4  }
0xaf: {  	[dreg:$0x3] =	wrdreg s6  }
0xb0: {  	[dreg:$0x4] =	wrdreg $0xC0  }
0xb1: {  	_ =	task [dreg:s8], $0x5FFFF  }
0xb2: {  	[dreg:$0x1] =	wrdreg $0xFFFFFFFF  }
0xb3: {  	[dreg:$0x0] =	wrdreg $0x60  }
0xb4: {  	[dreg:$0x2] =	wrdreg s17  }
0xb5: {  	[dreg:$0x3] =	wrdreg s24  }
0xb6: {  	[dreg:$0x4] =	wrdreg s16  }
0xb7: {  	[dreg:$0x5] =	wrdreg $0x9  }
0xb8: {  	_ =	task.clear_ibuf [dreg:s8], $0x6FFFF;
	_ =	strace $0x90000046  }
0xb9: {  	s29 =	simm.s32 $0x9;
	_ =	strace $0x80000048  }
0xba: {  	_ =	swait.ge [sflag:s29], $0x1  }
0xbb: {  	[sflag:s29] =	ssyncadd.s32 $0xFFFFFFFF  }
0xbc: {  	_ =	strace $0x90000048  }
0xbd: {  	_ =	sfence  }
0xbe: {  	s30 =	sld [smem:$0x0];
	_ =	sdelay $0x2  }
0xbf: {  	s31 =	sshll.u32 s1, $0xD;
	s1 =	sshrl.u32 s1, $0x2  }
0xc0: {  	s3 =	sand.u32 $0x4000, s31;
	s1 =	sadd.s32 s1, s30  }
0xc1: {  	s0 =	sor.u32 s3, s0;
	s1 =	sshll.u32 s1, $0x11  }
0xc2: {  	s0 =	sor.u32 s1, s0  }
0xc3: {  	s0 =	sadd.s32 $0x8F2B, s0  }
0xc4: {  	[sflag:s0] =	ssyncadd.remote.s32 $0x1  }
0xc5: {  	_ =	sfence.sel $0xFFFF  }
0xc6: {  	[dreg:$0x0] =	wrdreg $0xFFFFFFFF;
	(pc) =	sbr.abs _section_cstart, $3  }
0xc7: {  	[dreg:$0x1] =	wrdreg $0xFFFFFFFF  }
0xc8: {  	_ =	task.clear_ibuf [dreg:s8], $0x2FFFF;
	_ =	strace $0x9FFFFFFF  }
0xc9: {  	(tm) =	ssettm $0x7FFFFFFF  }
tec
execute0_lowered:
.L_overlay_start_1:
0x0: {  	(tag) =	ssettag $0x1  }
0x1: {  	s2 =	srdreg.scid  }
0x2: {  	s1 =	rddreg [dreg:$0x0];
	s0 =	stileid.u32;
	s6 =	sand.u32 $0x1, s2  }
0x3: {  	s4 =	rddreg [dreg:$0x1];
	s30 =	sshll.u32 s0, $0x9;
	s3 =	sshll.u32 s6, $0x8  }
0x4: {  	s8 =	rddreg [dreg:$0x2];
	s9 =	sor.u32 s3, s30  }
0x5: {  	s2 =	rddreg [dreg:$0x3];
	s3 =	simm.s32 $0x0;
	s5 =	sshrl.u32 s9, $0x3  }
0x6: {  	s10 =	ssub.s32 $0x2, s6;
	[smem:$0x7FF] =	sst s3;
	s4 =	sadd.s32 s5, s4  }
0x7: {  	_ =	strace $0x80000047;
	s5 =	sadd.s32 $0x400, s4;
	s4 =	simm.s32 $0x2  }
0x8: {  	[tilespmem:s3], [sflag:$0x2] =	stream.linear.gather [hbm4b:s5+s3], $0x100, $0x38;
	[tilespmem:$0x2100] =	vst v63  }
0x9: {  	s11 =	sshrl.u32 s10, $0x1;
	_ =	swait.ge [sflag:s4], $0x100  }
0xa: {  	s7 =	simm.s32 $0x1;
	s10 =	ssub.s32 s10, s11;
	[sflag:s4] =	ssyncset.done $0x0  }
0xb: {  	s6 =	simm.s32 $0x100;
	s31 =	smax.u32 s10, $0x1;
	[sflag:s4] =	ssyncadd.s32 $0xFFFFFF00  }
0xc: {  	[tilespmem:s6], [sflag:$0x1] =	stream.indirect.gather [hbm4b:s1+s6], $0x20, s3, s6, $0xb8;
	[tilespmem:$0x2100] =	vst v63  }
0xd: {  	p0 =	sne.s32 s31, $0x1;
	_ =	swait.ge [sflag:s7], $0x2000  }
.Ltmp0:
0xe: {  	s9 =	sshll.u32 s9, $0x2;
	[sflag:s7] =	ssyncset.done $0x0;
	(pc) =	sbr.rel @!p0 .LBB2_2-.Ltmp0, $4  }
0xf: {  	s8 =	sadd.s32 s8, s9;
	[sflag:s7] =	ssyncadd.s32 $0xFFFFE000  }
0x10: {  	[hbm4b:s8+s3] =	stream.linear.scatter [tilespmem:s6], [sflag:$0x2], $0x2000, $0x38;
	[tilespmem:$0x2100] =	vst v63  }
0x11: {  	_ =	swait.ge [sflag:s4], $0x2000  }
0x12: {  	s9 =	sadd.s32 $0xFFFFFFFF, s31;
	[sflag:s4] =	ssyncset.done $0x0  }
.LBB2_1:
0x13: {  	p0 =	sne.s32 s9, $0x1;
	s9 =	sadd.s32 $0xFFFFFFFF, s9;
	[sflag:s4] =	ssyncadd.s32 $0xFFFFE000  }
0x14: {  	[tilespmem:s3], [sflag:$0x2] =	stream.linear.gather [hbm4b:s5+s3], $0x100, $0x38;
	[tilespmem:$0x2100] =	vst v63  }
0x15: {  	_ =	swait.ge [sflag:s4], $0x100  }
0x16: {  	[sflag:s4] =	ssyncset.done $0x0  }
0x17: {  	[sflag:s4] =	ssyncadd.s32 $0xFFFFFF00  }
0x18: {  	[tilespmem:s6], [sflag:$0x1] =	stream.indirect.gather [hbm4b:s1+s6], $0x20, s3, s6, $0xb8;
	[tilespmem:$0x2100] =	vst v63  }
0x19: {  	_ =	swait.ge [sflag:s7], $0x2000  }
.Ltmp1:
0x1a: {  	[sflag:s7] =	ssyncset.done $0x0;
	(pc) =	sbr.rel @p0 .LBB2_1-.Ltmp1, $4  }
0x1b: {  	[sflag:s7] =	ssyncadd.s32 $0xFFFFE000  }
0x1c: {  	[hbm4b:s8+s3] =	stream.linear.scatter [tilespmem:s6], [sflag:$0x2], $0x2000, $0x38;
	[tilespmem:$0x2100] =	vst v63  }
0x1d: {  	_ =	swait.ge [sflag:s4], $0x2000  }
0x1e: {  	[sflag:s4] =	ssyncset.done $0x0  }
.LBB2_2:
0x1f: {  	[sflag:s4] =	ssyncadd.s32 $0xFFFFE000  }
0x20: {  	_ =	sfence.sel $0x180000  }
0x21: {  	[bflag:$0x0] =	sbarrier.arrive $0xFFFF  }
0x22: {  	p0 =	sne.s32 s0, $0x0;
	_ =	strace $0x90000047  }
0x23: {  	s0 =	sadd.s32 @!p0 $0x100000, s2;
	[bflag:$0x2] =	sbarrier.arrive $0xFFFF  }
0x24: {  	[sflag:s0] =	ssyncadd.tile.s32 @!p0 $0x1;
	_ =	shalt  }
.Lfunc_end2:
_tile_overlayer_lowered:
.L_overlay_start_2:
0x25: {  	(tag) =	ssettag $0x2  }
0x26: {  	s0 =	rddreg [dreg:$0x0];
	s2 =	stileid.u32  }
0x27: {  	s1 =	rddreg [dreg:$0x1];
	p0 =	sne.s32 s2, $0x0  }
0x28: {  	s3 =	rddreg [dreg:$0x2];
	[bflag:$0x3] =	sbarrier.arrive $0xFFFF;
	s2 =	simm.s32 @!p0 $0x1C02  }
0x29: {  	[timem:s3], [sflag:s2] =	dma.local @!p0 [hbm:s0], s1  }
0x2a: {  	s0 =	simm.s32 @!p0 $0x2  }
0x2b: {  	_ =	swait.ge @!p0 [sflag:s0], s1  }
0x2c: {  	s1 =	ssub.s32 @!p0 $0x0, s1;
	[sflag:s0] =	ssyncset.done @!p0 $0x0  }
0x2d: {  	[sflag:s0] =	ssyncadd.s32 @!p0 s1  }
0x2e: {  	[bflag:$0x3] =	sbarrier.arrive $0xFFFF  }
0x2f: {  	_ =	shalt  }

</sc_bundles>
